<compile_context>
chip_gen: v7x
topology: tpu7x:2x2x1
jax: 0.10.2.dev20260603
libtpu: 0.0.44.dev20260713+nightly
codegen_flags: <defaults>
</compile_context>

<pallas_src>
import functools

import jax
import jax.numpy as jnp
from jax import lax
from jax.experimental import pallas as pl
from jax.experimental.pallas import tpu as pltpu
from jax.experimental.pallas import tpu_sc as plsc

NC = 2
NS = 16
NW = NC * NS
CHUNK = 128
SUP = 8
SLOPE = (1.0 / 8.0 + 1.0 / 3.0) / 2.0


def _mesh():
    return plsc.VectorSubcoreMesh(core_axis_name="c", subcore_axis_name="s")


@functools.partial(jax.jit, static_argnames=("npad", "ones_rows"))
def _segsum(table, gidx_all, sidx_all, npad, ones_rows=False):
    epad = gidx_all.shape[0]
    e_per_tile = epad // NW
    n_chunks = e_per_tile // CHUNK
    rpt = npad // NS
    d = table.shape[1]

    @functools.partial(
        pl.kernel,
        mesh=_mesh(),
        out_type=jax.ShapeDtypeStruct((NC * npad, d), jnp.float32),
        scratch_types=[
            pltpu.VMEM((CHUNK,), jnp.int32),
            pltpu.VMEM((CHUNK,), jnp.int32),
            pltpu.VMEM((CHUNK, d), jnp.float32),
            pltpu.VMEM_SHARED((npad, d), jnp.float32),
            pltpu.SemaphoreType.DMA,
        ],
    )
    def k(table_hbm, g_hbm, s_hbm, out_hbm, gidx, sidx, rows, acc, sem):
        cid = lax.axis_index("c")
        sid = lax.axis_index("s")
        wid = sid * NC + cid
        n_acc = rpt // CHUNK

        def fill(val):
            def frow(r, _):
                for j in range(d // 16):
                    rows[r, pl.ds(j * 16, 16)] = jnp.full((16,), val, jnp.float32)
                return 0

            lax.fori_loop(0, CHUNK, frow, 0)

        fill(0.0)

        def zbody(c, _):
            pltpu.sync_copy(rows, acc.at[pl.ds(sid * rpt + c * CHUNK, CHUNK)])
            return 0

        lax.fori_loop(0, n_acc, zbody, 0)
        if ones_rows:
            fill(1.0)
        plsc.subcore_barrier()
        base = wid * e_per_tile

        def body(c, _):
            off = base + c * CHUNK
            pltpu.sync_copy(s_hbm.at[pl.ds(off, CHUNK)], sidx)
            if not ones_rows:
                pltpu.sync_copy(g_hbm.at[pl.ds(off, CHUNK)], gidx)
                pltpu.async_copy(table_hbm.at[gidx], rows, sem).wait()
            pltpu.sync_copy(rows, acc.at[sidx], add=True)
            return 0

        lax.fori_loop(0, n_chunks, body, 0)
        plsc.subcore_barrier()

        def obody(c, _):
            r0 = sid * rpt + c * CHUNK
            pltpu.sync_copy(acc.at[pl.ds(r0, CHUNK)], rows)
            pltpu.sync_copy(rows, out_hbm.at[pl.ds(cid * npad + r0, CHUNK)])
            return 0

        lax.fori_loop(0, n_acc, obody, 0)

    return k(table, gidx_all, sidx_all)


@jax.jit
def _gather(table, idx):
    b = idx.shape[0]
    per_tile = b // NW
    gchunk = 64
    n_chunks = per_tile // gchunk
    d = table.shape[1]

    @functools.partial(
        pl.kernel,
        mesh=_mesh(),
        out_type=jax.ShapeDtypeStruct((b, d), jnp.float32),
        scratch_types=[
            pltpu.VMEM((gchunk,), jnp.int32),
            pltpu.VMEM((gchunk, d), jnp.float32),
            pltpu.SemaphoreType.DMA,
        ],
    )
    def k(table_hbm, idx_hbm, out_hbm, gidx, rows, sem):
        cid = lax.axis_index("c")
        sid = lax.axis_index("s")
        wid = sid * NC + cid
        base = wid * per_tile

        def body(c, _):
            off = base + c * gchunk
            pltpu.sync_copy(idx_hbm.at[pl.ds(off, gchunk)], gidx)
            pltpu.async_copy(table_hbm.at[gidx], rows, sem).wait()
            pltpu.sync_copy(rows, out_hbm.at[pl.ds(off, gchunk)])
            return 0

        lax.fori_loop(0, n_chunks, body, 0)

    return k(table, idx)


def _layer(aggx, aggr, deg, x, w_n, w_loop, n, npad):
    d = x.shape[1]
    nb = 512
    grid = npad // nb

    def body(ax_ref, ar_ref, dg_ref, x_ref, wn_ref, wl_ref, o_ref):
        i = pl.program_id(0)
        ax = ax_ref[0] + ax_ref[1]
        ar = ar_ref[0] + ar_ref[1]
        dg = dg_ref[0, :, 0:1] + dg_ref[1, :, 0:1]
        invd = 1.0 / jnp.maximum(dg, 1.0)
        pre = (ax - ar) * invd
        h = jnp.dot(pre, wn_ref[...], preferred_element_type=jnp.float32)
        h = h + jnp.dot(x_ref[...], wl_ref[...], preferred_element_type=jnp.float32)
        h = jnp.where(h >= 0.0, h, SLOPE * h)
        row = i * nb + lax.broadcasted_iota(jnp.int32, (nb, 1), 0)
        o_ref[...] = jnp.where(row < n, h, 0.0)

    return pl.pallas_call(
        body,
        grid=(grid,),
        in_specs=[
            pl.BlockSpec((2, nb, d), lambda i: (0, i, 0)),
            pl.BlockSpec((2, nb, d), lambda i: (0, i, 0)),
            pl.BlockSpec((2, nb, d), lambda i: (0, i, 0)),
            pl.BlockSpec((nb, d), lambda i: (i, 0)),
            pl.BlockSpec((d, d), lambda i: (0, 0)),
            pl.BlockSpec((d, d), lambda i: (0, 0)),
        ],
        out_specs=pl.BlockSpec((nb, d), lambda i: (i, 0)),
        out_shape=jax.ShapeDtypeStruct((npad, d), jnp.float32),
    )(aggx, aggr, deg, x, w_n, w_loop)


def _time(intervals, lens, pos, t_w, t_b):
    bl = intervals.shape[0]
    t = t_w.shape[1]

    def body(iv_ref, len_ref, pos_ref, tw_ref, tb_ref, o_ref):
        tm = jnp.where(pos_ref[...] < len_ref[...], iv_ref[...], 1000000)
        tmf = tm.astype(jnp.float32)
        arg = tmf * tw_ref[...] + tb_ref[...]
        o_ref[...] = jnp.cos(arg)

    return pl.pallas_call(
        body,
        out_shape=jax.ShapeDtypeStruct((bl, t), jnp.float32),
    )(intervals, lens, pos, t_w, t_b)


def kernel(s, ent_embeds, rel_embeds, day_embeds, t_w, t_b, s_len_non_zero,
           s_time_iterval_sorted, s_time_day, s_time_week, node_ids_graph,
           edge_index, edge_type, W_n1, W_loop1, W_n2, W_loop2):
    n, d = ent_embeds.shape
    e = edge_index.shape[1]
    b, l = node_ids_graph.shape
    npad = ((n + 2047) // 2048) * 2048
    egran = NW * CHUNK * SUP
    epad = ((e + egran - 1) // egran) * egran

    src = edge_index[0].astype(jnp.int32)
    dst = edge_index[1].astype(jnp.int32)
    et = edge_type.astype(jnp.int32)
    pe = epad - e
    src_p = jnp.concatenate([src, jnp.zeros((pe,), jnp.int32)])
    dst_p = jnp.concatenate([dst, jnp.full((pe,), npad - 1, jnp.int32)])
    et_p = jnp.concatenate([et, jnp.zeros((pe,), jnp.int32)])
    x_pad = jnp.concatenate([ent_embeds, jnp.zeros((npad - n, d), jnp.float32)])

    aggr = _segsum(rel_embeds, et_p, dst_p, npad).reshape(NC, npad, d)
    ones_tab = jnp.ones((8, d), jnp.float32)
    zidx = jnp.zeros_like(dst_p)
    deg = _segsum(ones_tab, zidx, dst_p, npad, ones_rows=True).reshape(NC, npad, d)

    aggx1 = _segsum(x_pad, src_p, dst_p, npad).reshape(NC, npad, d)
    h1 = _layer(aggx1, aggr, deg, x_pad, W_n1, W_loop1, n, npad)
    aggx2 = _segsum(h1, src_p, dst_p, npad).reshape(NC, npad, d)
    h2 = _layer(aggx2, aggr, deg, h1, W_n2, W_loop2, n, npad)

    nid = node_ids_graph.reshape(-1).astype(jnp.int32)
    emb = _gather(h2, nid).reshape(b, l, d)

    iv = s_time_iterval_sorted.reshape(b * l, 1).astype(jnp.int32)
    lens = jnp.repeat(s_len_non_zero.astype(jnp.int32), l).reshape(b * l, 1)
    pos = jnp.tile(jnp.arange(l, dtype=jnp.int32), b).reshape(b * l, 1)
    te = _time(iv, lens, pos, t_w, t_b).reshape(b, l, -1)

    return jnp.concatenate([emb, te], axis=-1)

# --- scband reference (transcript-rebuilt; emitter-appended) ---
"""Pipeline reference for scband-rgcnaggregator-47777216201142 (READ-ONLY COPY).

The authoritative reference and input builder live on the scoring server;
editing this copy changes nothing except your own understanding.
"""

import jax, jax.numpy as jnp
import numpy as np

N = 10000
E = 320000
D = 128
T = 32
B = 1024
L = 10
R = 460
SLOPE = (1.0 / 8.0 + 1.0 / 3.0) / 2.0  # F.rrelu eval-mode slope


def setup_inputs(seed: int = 0) -> dict:
    key = jax.random.key(seed)
    ks = jax.random.split(key, 16)
    sc = 1.0 / np.sqrt(D)
    inp = {}
    inp["s"] = jax.random.randint(ks[0], (B, 3), 0, N)
    inp["ent_embeds"] = jax.random.normal(ks[1], (N, D), jnp.float32)
    inp["rel_embeds"] = jax.random.normal(ks[2], (R, D), jnp.float32)
    inp["day_embeds"] = jax.random.normal(ks[3], (7, T), jnp.float32)
    inp["t_w"] = jax.random.normal(ks[4], (1, T), jnp.float32)
    inp["t_b"] = jax.random.normal(ks[5], (1, T), jnp.float32)
    inp["s_len_non_zero"] = jax.random.randint(ks[6], (B,), 1, L + 1)
    inp["s_time_iterval_sorted"] = jnp.sort(jax.random.randint(ks[7], (B, L), 0, 1000), axis=1)
    inp["s_time_day"] = jax.random.randint(ks[8], (B, L), 0, 7)
    inp["s_time_week"] = jax.random.randint(ks[9], (B, L), 0, 53)
    inp["node_ids_graph"] = jax.random.randint(ks[10], (B, L), 0, N + 1)
    inp["edge_index"] = jax.random.randint(ks[11], (2, E), 0, N)
    inp["edge_type"] = jax.random.randint(ks[12], (E,), 0, R)
    inp["W_n1"] = jax.random.normal(ks[13], (D, D), jnp.float32) * sc
    inp["W_loop1"] = jax.random.normal(ks[14], (D, D), jnp.float32) * sc
    kp = jax.random.split(ks[15], 2)
    inp["W_n2"] = jax.random.normal(kp[0], (D, D), jnp.float32) * sc
    inp["W_loop2"] = jax.random.normal(kp[1], (D, D), jnp.float32) * sc
    return inp


def _union_rgcn_layer(x, src, dst, etype, rel_emb, W_n, W_loop):
    # comp='sub': message = (h[src] - r[etype]) @ W_n, mean-aggregated at dst
    msg = (x[src] - rel_emb[etype]) @ W_n
    agg = jax.ops.segment_sum(msg, dst, num_segments=N)
    deg = jnp.clip(jax.ops.segment_sum(jnp.ones((src.shape[0],), jnp.float32), dst, num_segments=N), 1.0, None)
    h = agg / deg[:, None] + x @ W_loop  # self-loop
    # rrelu in eval mode == leaky_relu with slope (lower+upper)/2
    return jnp.where(h >= 0, h, SLOPE * h)


def reference(s, ent_embeds, rel_embeds, day_embeds, t_w, t_b, s_len_non_zero,
              s_time_iterval_sorted, s_time_day, s_time_week, node_ids_graph,
              edge_index, edge_type, W_n1, W_loop1, W_n2, W_loop2):
    src, dst = edge_index[0], edge_index[1]
    h = _union_rgcn_layer(ent_embeds, src, dst, edge_type, rel_embeds, W_n1, W_loop1)
    h = _union_rgcn_layer(h, src, dst, edge_type, rel_embeds, W_n2, W_loop2)
    # g.ndata.pop('h') then concat padding row
    embeds = jnp.concatenate([h, jnp.zeros((1, D), jnp.float32)], axis=0)
    s_embed_seq = embeds[node_ids_graph]  # [B, L, D] gather with padding index N
    # time tensor: initialized to 1e6, filled per-row up to s_len_non_zero with sorted intervals
    pos = jnp.arange(L)[None, :]
    tmat = jnp.where(pos < s_len_non_zero[:, None], s_time_iterval_sorted, 1000000)
    t = tmat.reshape(-1, 1).astype(jnp.float32)
    te = jnp.cos(t * t_w + t_b).reshape(-1, L, T)
    out = jnp.concatenate([s_embed_seq, te], axis=-1)  # [B, L, D+T]
    # dropout in eval mode is identity
    return out

if __name__ == "__main__":
    import jax
    _d = setup_inputs()
    print(jax.jit(kernel)(*tuple(_d.values())))

</pallas_src>

<mosaic_0001>
#map = affine_map<(d0, d1) -> (0, 0)>
#map1 = affine_map<(d0, d1) -> (0)>
module attributes {stable_mosaic.version = 14 : i64} {
  func.func @k(%arg0: i32, %arg1: i32, %arg2: memref<460x128xf32, #tpu.memory_space<hbm>>, %arg3: memref<327680xi32, #tpu.memory_space<hbm>>, %arg4: memref<327680xi32, #tpu.memory_space<hbm>>, %arg5: memref<20480x128xf32, #tpu.memory_space<hbm>>, %arg6: memref<128xi32, #tpu.memory_space<vmem>>, %arg7: memref<128xi32, #tpu.memory_space<vmem>>, %arg8: memref<128x128xf32, #tpu.memory_space<vmem>>, %arg9: memref<10240x128xf32, #tpu.memory_space<vmem_shared>>, %arg10: memref<!tpu.dma_semaphore, #tpu.memory_space<semaphore_mem>>) attributes {dimension_semantics = [#tpu.dimension_semantics<core_parallel>, #tpu.dimension_semantics<subcore_parallel>], iteration_bounds = array<i64: 2, 16>, scalar_prefetch = 0 : i64, scratch_operands = 5 : i64, tpu.core_type = #tpu.core_type<sc_vector_subcore>, window_params = [{transform_indices = #map}, {transform_indices = #map1}, {transform_indices = #map1}, {transform_indices = #map}]} {
    %mul3A = arith.constant 2 : i32
    %mul3A_0 = arith.muli %arg1, %mul3A : i32
    %add3A = arith.addi %mul3A_0, %arg0 : i32
    %scan3A = arith.constant 0 : i32
    %scan3A_1 = arith.constant 0 : i32
    %scan3A_2 = arith.constant 128 : i32
    %scan3A_3 = arith.addi %scan3A_1, %scan3A_2 : i32
    %scan3A_4 = arith.constant 1 : i32
    %scan3A_5 = scf.for %scan3A_31 = %scan3A_1 to %scan3A_3 step %scan3A_4 iter_args(%scan3A_32 = %scan3A) -> (i32)  : i32 {
      %broadcast_in_dim3A = arith.constant 0.000000e+00 : f32
      %broadcast_in_dim3A_33 = vector.broadcast %broadcast_in_dim3A : f32 to vector<16xf32>
      %swap3A = arith.index_cast %scan3A_31 : i32 to index
      %swap3A_34 = arith.constant 0 : index
      %swap3A_35 = tpu.vector_load %arg8[%swap3A, %swap3A_34] {strides = array<i32>} : memref<128x128xf32, #tpu.memory_space<vmem>>, vector<1x16xf32>,
      %swap3A_36 = vector.shape_cast %swap3A_35 : vector<1x16xf32> to vector<16xf32>
      %swap3A_37 = vector.shape_cast %broadcast_in_dim3A_33 : vector<16xf32> to vector<1x16xf32>
      tpu.vector_store %arg8[%swap3A, %swap3A_34], %swap3A_37 {strides = array<i32>} : memref<128x128xf32, #tpu.memory_space<vmem>>, vector<1x16xf32>,
      %broadcast_in_dim3A_38 = arith.constant 0.000000e+00 : f32
      %broadcast_in_dim3A_39 = vector.broadcast %broadcast_in_dim3A_38 : f32 to vector<16xf32>
      %swap3A_40 = arith.index_cast %scan3A_31 : i32 to index
      %swap3A_41 = arith.constant 16 : index
      %swap3A_42 = tpu.vector_load %arg8[%swap3A_40, %swap3A_41] {strides = array<i32>} : memref<128x128xf32, #tpu.memory_space<vmem>>, vector<1x16xf32>,
      %swap3A_43 = vector.shape_cast %swap3A_42 : vector<1x16xf32> to vector<16xf32>
      %swap3A_44 = vector.shape_cast %broadcast_in_dim3A_39 : vector<16xf32> to vector<1x16xf32>
      tpu.vector_store %arg8[%swap3A_40, %swap3A_41], %swap3A_44 {strides = array<i32>} : memref<128x128xf32, #tpu.memory_space<vmem>>, vector<1x16xf32>,
      %broadcast_in_dim3A_45 = arith.constant 0.000000e+00 : f32
      %broadcast_in_dim3A_46 = vector.broadcast %broadcast_in_dim3A_45 : f32 to vector<16xf32>
      %swap3A_47 = arith.index_cast %scan3A_31 : i32 to index
      %swap3A_48 = arith.constant 32 : index
      %swap3A_49 = tpu.vector_load %arg8[%swap3A_47, %swap3A_48] {strides = array<i32>} : memref<128x128xf32, #tpu.memory_space<vmem>>, vector<1x16xf32>,
      %swap3A_50 = vector.shape_cast %swap3A_49 : vector<1x16xf32> to vector<16xf32>
      %swap3A_51 = vector.shape_cast %broadcast_in_dim3A_46 : vector<16xf32> to vector<1x16xf32>
      tpu.vector_store %arg8[%swap3A_47, %swap3A_48], %swap3A_51 {strides = array<i32>} : memref<128x128xf32, #tpu.memory_space<vmem>>, vector<1x16xf32>,
      %broadcast_in_dim3A_52 = arith.constant 0.000000e+00 : f32
      %broadcast_in_dim3A_53 = vector.broadcast %broadcast_in_dim3A_52 : f32 to vector<16xf32>
      %swap3A_54 = arith.index_cast %scan3A_31 : i32 to index
      %swap3A_55 = arith.constant 48 : index
      %swap3A_56 = tpu.vector_load %arg8[%swap3A_54, %swap3A_55] {strides = array<i32>} : memref<128x128xf32, #tpu.memory_space<vmem>>, vector<1x16xf32>,
      %swap3A_57 = vector.shape_cast %swap3A_56 : vector<1x16xf32> to vector<16xf32>
      %swap3A_58 = vector.shape_cast %broadcast_in_dim3A_53 : vector<16xf32> to vector<1x16xf32>
      tpu.vector_store %arg8[%swap3A_54, %swap3A_55], %swap3A_58 {strides = array<i32>} : memref<128x128xf32, #tpu.memory_space<vmem>>, vector<1x16xf32>,
      %broadcast_in_dim3A_59 = arith.constant 0.000000e+00 : f32
      %broadcast_in_dim3A_60 = vector.broadcast %broadcast_in_dim3A_59 : f32 to vector<16xf32>
      %swap3A_61 = arith.index_cast %scan3A_31 : i32 to index
      %swap3A_62 = arith.constant 64 : index
      %swap3A_63 = tpu.vector_load %arg8[%swap3A_61, %swap3A_62] {strides = array<i32>} : memref<128x128xf32, #tpu.memory_space<vmem>>, vector<1x16xf32>,
      %swap3A_64 = vector.shape_cast %swap3A_63 : vector<1x16xf32> to vector<16xf32>
      %swap3A_65 = vector.shape_cast %broadcast_in_dim3A_60 : vector<16xf32> to vector<1x16xf32>
      tpu.vector_store %arg8[%swap3A_61, %swap3A_62], %swap3A_65 {strides = array<i32>} : memref<128x128xf32, #tpu.memory_space<vmem>>, vector<1x16xf32>,
      %broadcast_in_dim3A_66 = arith.constant 0.000000e+00 : f32
      %broadcast_in_dim3A_67 = vector.broadcast %broadcast_in_dim3A_66 : f32 to vector<16xf32>
      %swap3A_68 = arith.index_cast %scan3A_31 : i32 to index
      %swap3A_69 = arith.constant 80 : index
      %swap3A_70 = tpu.vector_load %arg8[%swap3A_68, %swap3A_69] {strides = array<i32>} : memref<128x128xf32, #tpu.memory_space<vmem>>, vector<1x16xf32>,
      %swap3A_71 = vector.shape_cast %swap3A_70 : vector<1x16xf32> to vector<16xf32>
      %swap3A_72 = vector.shape_cast %broadcast_in_dim3A_67 : vector<16xf32> to vector<1x16xf32>
      tpu.vector_store %arg8[%swap3A_68, %swap3A_69], %swap3A_72 {strides = array<i32>} : memref<128x128xf32, #tpu.memory_space<vmem>>, vector<1x16xf32>,
      %broadcast_in_dim3A_73 = arith.constant 0.000000e+00 : f32
      %broadcast_in_dim3A_74 = vector.broadcast %broadcast_in_dim3A_73 : f32 to vector<16xf32>
      %swap3A_75 = arith.index_cast %scan3A_31 : i32 to index
      %swap3A_76 = arith.constant 96 : index
      %swap3A_77 = tpu.vector_load %arg8[%swap3A_75, %swap3A_76] {strides = array<i32>} : memref<128x128xf32, #tpu.memory_space<vmem>>, vector<1x16xf32>,
      %swap3A_78 = vector.shape_cast %swap3A_77 : vector<1x16xf32> to vector<16xf32>
      %swap3A_79 = vector.shape_cast %broadcast_in_dim3A_74 : vector<16xf32> to vector<1x16xf32>
      tpu.vector_store %arg8[%swap3A_75, %swap3A_76], %swap3A_79 {strides = array<i32>} : memref<128x128xf32, #tpu.memory_space<vmem>>, vector<1x16xf32>,
      %broadcast_in_dim3A_80 = arith.constant 0.000000e+00 : f32
      %broadcast_in_dim3A_81 = vector.broadcast %broadcast_in_dim3A_80 : f32 to vector<16xf32>
      %swap3A_82 = arith.index_cast %scan3A_31 : i32 to index
      %swap3A_83 = arith.constant 112 : index
      %swap3A_84 = tpu.vector_load %arg8[%swap3A_82, %swap3A_83] {strides = array<i32>} : memref<128x128xf32, #tpu.memory_space<vmem>>, vector<1x16xf32>,
      %swap3A_85 = vector.shape_cast %swap3A_84 : vector<1x16xf32> to vector<16xf32>
      %swap3A_86 = vector.shape_cast %broadcast_in_dim3A_81 : vector<16xf32> to vector<1x16xf32>
      tpu.vector_store %arg8[%swap3A_82, %swap3A_83], %swap3A_86 {strides = array<i32>} : memref<128x128xf32, #tpu.memory_space<vmem>>, vector<1x16xf32>,
      %scan3A_87 = arith.constant 0 : i32
      scf.yield %scan3A_87 : i32
    }
    %scan3A_6 = arith.constant 128 : i32
    %scan3A_7 = arith.constant 0 : i32
    %scan3A_8 = arith.constant 0 : i32
    %scan3A_9 = arith.constant 5 : i32
    %scan3A_10 = arith.addi %scan3A_8, %scan3A_9 : i32
    %scan3A_11 = arith.constant 1 : i32
    %scan3A_12 = scf.for %scan3A_31 = %scan3A_8 to %scan3A_10 step %scan3A_11 iter_args(%scan3A_32 = %scan3A_7) -> (i32)  : i32 {
      %mul3A_33 = arith.constant 640 : i32
      %mul3A_34 = arith.muli %arg1, %mul3A_33 : i32
      %mul3A_35 = arith.constant 128 : i32
      %mul3A_36 = arith.muli %scan3A_31, %mul3A_35 : i32
      %add3A_37 = arith.addi %mul3A_34, %mul3A_36 : i32
      "tpu.region"() ({
        %run_scoped3A = tpu.sem_alloc : memref<!tpu.dma_semaphore, #tpu.memory_space<semaphore_mem>>
        %dma_start3A = arith.constant 0 : i32
        %dma_start3A_39 = tpu.memref_slice %arg9[%add3A_37, %dma_start3A] : memref<10240x128xf32, #tpu.memory_space<vmem_shared>> -> memref<128x128xf32, #tpu.memory_space<vmem_shared>>
        %dma_start3A_40 = arith.constant 0 : i32
        %dma_start3A_41 = tpu.memref_slice %arg9[%add3A_37, %dma_start3A_40] : memref<10240x128xf32, #tpu.memory_space<vmem_shared>> -> memref<128x128xf32, #tpu.memory_space<vmem_shared>>
        tpu.enqueue_dma source(%arg8 : memref<128x128xf32, #tpu.memory_space<vmem>>) target(%dma_start3A_41 : memref<128x128xf32, #tpu.memory_space<vmem_shared>>) target_semaphore(%run_scoped3A : memref<!tpu.dma_semaphore, #tpu.memory_space<semaphore_mem>>)
        %dma_wait3A = arith.constant 0 : i32
        %dma_wait3A_42 = tpu.memref_slice %arg9[%add3A_37, %dma_wait3A] : memref<10240x128xf32, #tpu.memory_space<vmem_shared>> -> memref<128x128xf32, #tpu.memory_space<vmem_shared>>
        %dma_wait3A_43 = arith.constant 0 : i32
        %dma_wait3A_44 = tpu.memref_slice %arg9[%add3A_37, %dma_wait3A_43] : memref<10240x128xf32, #tpu.memory_space<vmem_shared>> -> memref<128x128xf32, #tpu.memory_space<vmem_shared>>
        tpu.wait_dma2 semaphore(%run_scoped3A : memref<!tpu.dma_semaphore, #tpu.memory_space<semaphore_mem>>) src(%arg8 : memref<128x128xf32, #tpu.memory_space<vmem>>) dst(%dma_wait3A_44 : memref<128x128xf32, #tpu.memory_space<vmem_shared>>)
        tpu.yield
      }) : () -> ()
      %scan3A_38 = arith.constant 0 : i32
      scf.yield %scan3A_38 : i32
    }
    %scan3A_13 = arith.constant 5 : i32
    %barrier3A = arith.constant 0 : index
    tpu.barrier barrier_id(%barrier3A)
    %mul3A_14 = arith.constant 10240 : i32
    %mul3A_15 = arith.muli %add3A, %mul3A_14 : i32
    %scan3A_16 = arith.constant 0 : i32
    %scan3A_17 = arith.constant 0 : i32
    %scan3A_18 = arith.constant 80 : i32
    %scan3A_19 = arith.addi %scan3A_17, %scan3A_18 : i32
    %scan3A_20 = arith.constant 1 : i32
    %scan3A_21 = scf.for %scan3A_31 = %scan3A_17 to %scan3A_19 step %scan3A_20 iter_args(%scan3A_32 = %scan3A_16) -> (i32)  : i32 {
      %mul3A_33 = arith.constant 128 : i32
      %mul3A_34 = arith.muli %scan3A_31, %mul3A_33 : i32
      %add3A_35 = arith.addi %mul3A_15, %mul3A_34 : i32
      "tpu.region"() ({
        %run_scoped3A = tpu.sem_alloc : memref<!tpu.dma_semaphore, #tpu.memory_space<semaphore_mem>>
        %dma_start3A_41 = tpu.memref_slice %arg4[%add3A_35] : memref<327680xi32, #tpu.memory_space<hbm>> -> memref<128xi32, #tpu.memory_space<hbm>>
        %dma_start3A_42 = tpu.memref_slice %arg4[%add3A_35] : memref<327680xi32, #tpu.memory_space<hbm>> -> memref<128xi32, #tpu.memory_space<hbm>>
        tpu.enqueue_dma source(%dma_start3A_42 : memref<128xi32, #tpu.memory_space<hbm>>) target(%arg7 : memref<128xi32, #tpu.memory_space<vmem>>) target_semaphore(%run_scoped3A : memref<!tpu.dma_semaphore, #tpu.memory_space<semaphore_mem>>)
        %dma_wait3A_43 = tpu.memref_slice %arg4[%add3A_35] : memref<327680xi32, #tpu.memory_space<hbm>> -> memref<128xi32, #tpu.memory_space<hbm>>
        %dma_wait3A_44 = tpu.memref_slice %arg4[%add3A_35] : memref<327680xi32, #tpu.memory_space<hbm>> -> memref<128xi32, #tpu.memory_space<hbm>>
        tpu.wait_dma2 semaphore(%run_scoped3A : memref<!tpu.dma_semaphore, #tpu.memory_space<semaphore_mem>>) src(%dma_wait3A_44 : memref<128xi32, #tpu.memory_space<hbm>>) dst(%arg7 : memref<128xi32, #tpu.memory_space<vmem>>)
        tpu.yield
      }) : () -> ()
      "tpu.region"() ({
        %run_scoped3A = tpu.sem_alloc : memref<!tpu.dma_semaphore, #tpu.memory_space<semaphore_mem>>
        %dma_start3A_41 = tpu.memref_slice %arg3[%add3A_35] : memref<327680xi32, #tpu.memory_space<hbm>> -> memref<128xi32, #tpu.memory_space<hbm>>
        %dma_start3A_42 = tpu.memref_slice %arg3[%add3A_35] : memref<327680xi32, #tpu.memory_space<hbm>> -> memref<128xi32, #tpu.memory_space<hbm>>
        tpu.enqueue_dma source(%dma_start3A_42 : memref<128xi32, #tpu.memory_space<hbm>>) target(%arg6 : memref<128xi32, #tpu.memory_space<vmem>>) target_semaphore(%run_scoped3A : memref<!tpu.dma_semaphore, #tpu.memory_space<semaphore_mem>>)
        %dma_wait3A_43 = tpu.memref_slice %arg3[%add3A_35] : memref<327680xi32, #tpu.memory_space<hbm>> -> memref<128xi32, #tpu.memory_space<hbm>>
        %dma_wait3A_44 = tpu.memref_slice %arg3[%add3A_35] : memref<327680xi32, #tpu.memory_space<hbm>> -> memref<128xi32, #tpu.memory_space<hbm>>
        tpu.wait_dma2 semaphore(%run_scoped3A : memref<!tpu.dma_semaphore, #tpu.memory_space<semaphore_mem>>) src(%dma_wait3A_44 : memref<128xi32, #tpu.memory_space<hbm>>) dst(%arg6 : memref<128xi32, #tpu.memory_space<vmem>>)
        tpu.yield
      }) : () -> ()
      %dma_start3A = arith.constant 0 : i32
      %dma_start3A_36 = arith.constant 0 : i32
      %dma_start3A_37 = tpu.memref_slice %arg2[%dma_start3A, %dma_start3A_36] : memref<460x128xf32, #tpu.memory_space<hbm>> -> memref<460x128xf32, #tpu.memory_space<hbm>>
      tpu.enqueue_indirect_dma source(%dma_start3A_37 : memref<460x128xf32, #tpu.memory_space<hbm>>) target(%arg8 : memref<128x128xf32, #tpu.memory_space<vmem>>) offsets(%arg6 : memref<128xi32, #tpu.memory_space<vmem>>) semaphore(%arg10 : memref<!tpu.dma_semaphore, #tpu.memory_space<semaphore_mem>>)
      %dma_wait3A = arith.constant 0 : i32
      %dma_wait3A_38 = arith.constant 0 : i32
      %dma_wait3A_39 = tpu.memref_slice %arg2[%dma_wait3A, %dma_wait3A_38] : memref<460x128xf32, #tpu.memory_space<hbm>> -> memref<460x128xf32, #tpu.memory_space<hbm>>
      tpu.wait_indirect_dma semaphore(%arg10 : memref<!tpu.dma_semaphore, #tpu.memory_space<semaphore_mem>>) src(%dma_wait3A_39 : memref<460x128xf32, #tpu.memory_space<hbm>>) dst(%arg8 : memref<128x128xf32, #tpu.memory_space<vmem>>)
      "tpu.region"() ({
        %run_scoped3A = tpu.sem_alloc : memref<!tpu.dma_semaphore, #tpu.memory_space<semaphore_mem>>
        %dma_start3A_41 = arith.constant 0 : i32
        %dma_start3A_42 = arith.constant 0 : i32
        %dma_start3A_43 = tpu.memref_slice %arg9[%dma_start3A_41, %dma_start3A_42] : memref<10240x128xf32, #tpu.memory_space<vmem_shared>> -> memref<10240x128xf32, #tpu.memory_space<vmem_shared>>
        tpu.enqueue_indirect_dma source(%arg8 : memref<128x128xf32, #tpu.memory_space<vmem>>) target(%dma_start3A_43 : memref<10240x128xf32, #tpu.memory_space<vmem_shared>>) offsets(%arg7 : memref<128xi32, #tpu.memory_space<vmem>>) semaphore(%run_scoped3A : memref<!tpu.dma_semaphore, #tpu.memory_space<semaphore_mem>>) {add = true}
        %dma_wait3A_44 = arith.constant 0 : i32
        %dma_wait3A_45 = arith.constant 0 : i32
        %dma_wait3A_46 = tpu.memref_slice %arg9[%dma_wait3A_44, %dma_wait3A_45] : memref<10240x128xf32, #tpu.memory_space<vmem_shared>> -> memref<10240x128xf32, #tpu.memory_space<vmem_shared>>
        tpu.wait_indirect_dma semaphore(%run_scoped3A : memref<!tpu.dma_semaphore, #tpu.memory_space<semaphore_mem>>) src(%arg8 : memref<128x128xf32, #tpu.memory_space<vmem>>) dst(%dma_wait3A_46 : memref<10240x128xf32, #tpu.memory_space<vmem_shared>>)
        tpu.yield
      }) : () -> ()
      %scan3A_40 = arith.constant 0 : i32
      scf.yield %scan3A_40 : i32
    }
    %scan3A_22 = arith.constant 80 : i32
    %barrier3A_23 = arith.constant 0 : index
    tpu.barrier barrier_id(%barrier3A_23)
    %scan3A_24 = arith.constant 0 : i32
    %scan3A_25 = arith.constant 0 : i32
    %scan3A_26 = arith.constant 5 : i32
    %scan3A_27 = arith.addi %scan3A_25, %scan3A_26 : i32
    %scan3A_28 = arith.constant 1 : i32
    %scan3A_29 = scf.for %scan3A_31 = %scan3A_25 to %scan3A_27 step %scan3A_28 iter_args(%scan3A_32 = %scan3A_24) -> (i32)  : i32 {
      %mul3A_33 = arith.constant 640 : i32
      %mul3A_34 = arith.muli %arg1, %mul3A_33 : i32
      %mul3A_35 = arith.constant 128 : i32
      %mul3A_36 = arith.muli %scan3A_31, %mul3A_35 : i32
      %add3A_37 = arith.addi %mul3A_34, %mul3A_36 : i32
      "tpu.region"() ({
        %run_scoped3A = tpu.sem_alloc : memref<!tpu.dma_semaphore, #tpu.memory_space<semaphore_mem>>
        %dma_start3A = arith.constant 0 : i32
        %dma_start3A_42 = tpu.memref_slice %arg9[%add3A_37, %dma_start3A] : memref<10240x128xf32, #tpu.memory_space<vmem_shared>> -> memref<128x128xf32, #tpu.memory_space<vmem_shared>>
        %dma_start3A_43 = arith.constant 0 : i32
        %dma_start3A_44 = tpu.memref_slice %arg9[%add3A_37, %dma_start3A_43] : memref<10240x128xf32, #tpu.memory_space<vmem_shared>> -> memref<128x128xf32, #tpu.memory_space<vmem_shared>>
        tpu.enqueue_dma source(%dma_start3A_44 : memref<128x128xf32, #tpu.memory_space<vmem_shared>>) target(%arg8 : memref<128x128xf32, #tpu.memory_space<vmem>>) target_semaphore(%run_scoped3A : memref<!tpu.dma_semaphore, #tpu.memory_space<semaphore_mem>>)
        %dma_wait3A = arith.constant 0 : i32
        %dma_wait3A_45 = tpu.memref_slice %arg9[%add3A_37, %dma_wait3A] : memref<10240x128xf32, #tpu.memory_space<vmem_shared>> -> memref<128x128xf32, #tpu.memory_space<vmem_shared>>
        %dma_wait3A_46 = arith.constant 0 : i32
        %dma_wait3A_47 = tpu.memref_slice %arg9[%add3A_37, %dma_wait3A_46] : memref<10240x128xf32, #tpu.memory_space<vmem_shared>> -> memref<128x128xf32, #tpu.memory_space<vmem_shared>>
        tpu.wait_dma2 semaphore(%run_scoped3A : memref<!tpu.dma_semaphore, #tpu.memory_space<semaphore_mem>>) src(%dma_wait3A_47 : memref<128x128xf32, #tpu.memory_space<vmem_shared>>) dst(%arg8 : memref<128x128xf32, #tpu.memory_space<vmem>>)
        tpu.yield
      }) : () -> ()
      %mul3A_38 = arith.constant 10240 : i32
      %mul3A_39 = arith.muli %arg0, %mul3A_38 : i32
      %add3A_40 = arith.addi %mul3A_39, %add3A_37 : i32
      "tpu.region"() ({
        %run_scoped3A = tpu.sem_alloc : memref<!tpu.dma_semaphore, #tpu.memory_space<semaphore_mem>>
        %dma_start3A = arith.constant 0 : i32
        %dma_start3A_42 = tpu.memref_slice %arg5[%add3A_40, %dma_start3A] : memref<20480x128xf32, #tpu.memory_space<hbm>> -> memref<128x128xf32, #tpu.memory_space<hbm>>
        %dma_start3A_43 = arith.constant 0 : i32
        %dma_start3A_44 = tpu.memref_slice %arg5[%add3A_40, %dma_start3A_43] : memref<20480x128xf32, #tpu.memory_space<hbm>> -> memref<128x128xf32, #tpu.memory_space<hbm>>
        tpu.enqueue_dma source(%arg8 : memref<128x128xf32, #tpu.memory_space<vmem>>) target(%dma_start3A_44 : memref<128x128xf32, #tpu.memory_space<hbm>>) target_semaphore(%run_scoped3A : memref<!tpu.dma_semaphore, #tpu.memory_space<semaphore_mem>>)
        %dma_wait3A = arith.constant 0 : i32
        %dma_wait3A_45 = tpu.memref_slice %arg5[%add3A_40, %dma_wait3A] : memref<20480x128xf32, #tpu.memory_space<hbm>> -> memref<128x128xf32, #tpu.memory_space<hbm>>
        %dma_wait3A_46 = arith.constant 0 : i32
        %dma_wait3A_47 = tpu.memref_slice %arg5[%add3A_40, %dma_wait3A_46] : memref<20480x128xf32, #tpu.memory_space<hbm>> -> memref<128x128xf32, #tpu.memory_space<hbm>>
        tpu.wait_dma2 semaphore(%run_scoped3A : memref<!tpu.dma_semaphore, #tpu.memory_space<semaphore_mem>>) src(%arg8 : memref<128x128xf32, #tpu.memory_space<vmem>>) dst(%dma_wait3A_47 : memref<128x128xf32, #tpu.memory_space<hbm>>)
        tpu.yield
      }) : () -> ()
      %scan3A_41 = arith.constant 0 : i32
      scf.yield %scan3A_41 : i32
    }
    %scan3A_30 = arith.constant 5 : i32
    return
  }
}

</mosaic_0001>

<sc_bundles>
// kernel: _segsum.3.cloned.1.call-start
scs
__scs_entry_jumppad:
0x0: {  	(pc) =	sbr.rel $0x88, $3  }
0x1: {  	(tag) =	ssettag $0x0;
	lr =	simm.s32 $0x1  }
0x2: {  	[smem:$0x3F9E] =	sst lr;
	_ =	strace $0xD0000000  }
0x3: {  	_ = 	snop  }
0x4: {  	_ = 	snop  }
0x5: {  	_ = 	snop  }
0x6: {  	_ = 	snop  }
0x7: {  	_ = 	snop  }
__scs_overlays_trampoline_lowered:
0x8: {  	[smem:$0x3FAD] =	sst s0  }
0x9: {  	[smem:$0x3FAE] =	sst s1  }
0xa: {  	[smem:$0x3FAF] =	sst s2  }
0xb: {  	[smem:$0x3FB0] =	sst s3  }
0xc: {  	[smem:$0x3FB1] =	sst s4  }
0xd: {  	[smem:$0x3FB2] =	sst s5  }
0xe: {  	[smem:$0x3FB3] =	sst s6  }
0xf: {  	[smem:$0x3FB4] =	sst s7  }
0x10: {  	[smem:$0x3FB5] =	sst s8  }
0x11: {  	[smem:$0x3FB6] =	sst s9;
	s0 =	simm.s32 @!p0 $0x0  }
0x12: {  	s1 =	sld [smem:$0x3F9C];
	s0 =	simm.s32 @p0 $0x1  }
0x13: {  	[smem:$0x3FB7] =	sst s0;
	s0 =	simm.s32 @!p1 $0x0  }
0x14: {  	s2 =	sld [smem:$0x3F9B];
	s0 =	simm.s32 @p1 $0x1  }
0x15: {  	[smem:$0x3FB8] =	sst s0;
	s0 =	simm.s32 @!p2 $0x0  }
0x16: {  	s3 =	sld [smem:$0x3FDB];
	s0 =	simm.s32 @p2 $0x1  }
0x17: {  	s4 =	simm.s32 $0x1BF5;
	[smem:$0x3FBA] =	sst s0  }
0x18: {  	s0 =	sld [smem:$0x3F9D];
	_ =	swait.ge [sflag:s4], $0x0  }
0x19: {  	s7 =	sld [smem:$0x3F9E]  }
0x1a: {  	s8 =	sadd.s32 $0xFFFFE003, lr  }
0x1b: {  	s9 =	sadd.s32 $0xFFFFFEF7, lr;
	s5 =	simm.s32 $0xFFFFFFFF;
	p2 =	slt.u32 s8, $0xFFFFF086  }
0x1c: {  	p1 =	slt.u32 s9, $0xF7A;
	s5 =	simm.s32 @!p2 $0x0  }
0x1d: {  	s5 =	simm.s32 @p1 $0x1;
	p0 =	seq.s32 s7, s2  }
0x1e: {  	s7 =	smul.u32 @!p0 $0xF7A, s2;
	p2 =	seq.s32 @!p0 s5, $0x0  }
0x1f: {  	s9 =	smul.u32 $0xF7A, s1;
	s8 =	simm.s32 @!p0 $0x1BF5;
	p2 =	por !p2, p0  }
0x20: {  	[sflag:s8] =	ssyncset.s32 @!p0 $0xFFFFF086;
	s6 =	sadd.s32 @!p0 s3, s7;
	s7 =	simm.s32 @!p0 $0x108  }
0x21: {  	s3 =	sadd.s32 s3, s9;
	s6 =	sadd.s32 @!p0 $0x88, s6;
	s7 =	simm.s32 @p2 $0x1082  }
0x22: {  	[simem:s7], [sflag:s8] =	dma.local @!p0 [hbm:s6], $0xF7A  }
0x23: {  	s9 =	sor.u32 $0xD0000000, s2;
	s6 =	simm.s32 $0x108;
	_ =	swait.ge @!p0 [sflag:s8], $0x0  }
0x24: {  	s3 =	sadd.s32 $0x88, s3;
	s6 =	simm.s32 @!p1 $0x1082;
	[sflag:s4] =	ssyncset.s32 $0xFFFFF086  }
0x25: {  	[simem:s6], [sflag:s4] =	dma.local [hbm:s3], $0xF7A  }
0x26: {  	[smem:$0x3F9E] =	sst s1;
	(tag) =	ssettag s2;
	_ =	strace s9  }
0x27: {  	s1 =	sld [smem:$0x3FAE]  }
0x28: {  	s2 =	sld [smem:$0x3FAF]  }
0x29: {  	s4 =	sld [smem:$0x3FB1]  }
0x2a: {  	p0 =	seq.s32 s5, $0x0;
	s5 =	sld [smem:$0x3FB2]  }
0x2b: {  	s6 =	sld [smem:$0x3FB3]  }
0x2c: {  	s7 =	sld [smem:$0x3FB4]  }
0x2d: {  	s3 =	simm.s32 $0x108;
	s8 =	sld [smem:$0x3FB5]  }
0x2e: {  	s3 =	simm.s32 @!p0 $0x1082;
	s9 =	sld [smem:$0x3FB6]  }
0x2f: {  	lr =	sadd.s32 s0, s3;
	s0 =	sld [smem:$0x3FAD]  }
0x30: {  	s3 =	sld [smem:$0x3FB0]  }
0x31: {  	[smem:$0x3FB9] =	sst s10  }
0x32: {  	s10 =	sld [smem:$0x3FB7];
	_ =	sdelay $0x3  }
0x33: {  	p0 =	seq.s32 s10, $0x1;
	s10 =	sld [smem:$0x3FB9];
	_ =	sdelay $0x3  }
0x34: {  	[smem:$0x3FB9] =	sst s10  }
0x35: {  	s10 =	sld [smem:$0x3FB8];
	_ =	sdelay $0x3  }
0x36: {  	p1 =	seq.s32 s10, $0x1;
	s10 =	sld [smem:$0x3FB9];
	_ =	sdelay $0x3  }
0x37: {  	[smem:$0x3FB9] =	sst s10  }
0x38: {  	s10 =	sld [smem:$0x3FBA]  }
0x39: {  	_ = 	snop;
	(pc) =	sbr.ind lr, $3  }
0x3a: {  	_ = 	snop  }
0x3b: {  	_ = 	snop  }
0x3c: {  	p2 =	seq.s32 s10, $0x1;
	s10 =	sld [smem:$0x3FB9]  }
0x3d: {  	_ =	shalt  }
0x3e: {  	_ =	shalt  }
0x3f: {  	_ =	shalt  }
0x40: {  	_ =	shalt  }
0x41: {  	_ =	shalt  }
0x42: {  	_ =	shalt  }
0x43: {  	_ =	shalt  }
0x44: {  	_ =	shalt  }
0x45: {  	_ =	shalt  }
0x46: {  	_ =	shalt  }
0x47: {  	_ =	shalt  }
0x48: {  	_ =	shalt  }
0x49: {  	_ =	shalt  }
0x4a: {  	_ =	shalt  }
0x4b: {  	_ =	shalt  }
0x4c: {  	_ =	shalt  }
0x4d: {  	_ =	shalt  }
0x4e: {  	_ =	shalt  }
0x4f: {  	_ =	shalt  }
0x50: {  	_ =	shalt  }
0x51: {  	_ =	shalt  }
0x52: {  	_ =	shalt  }
0x53: {  	_ =	shalt  }
0x54: {  	_ =	shalt  }
0x55: {  	_ =	shalt  }
0x56: {  	_ =	shalt  }
0x57: {  	_ =	shalt  }
0x58: {  	_ =	shalt  }
0x59: {  	_ =	shalt  }
0x5a: {  	_ =	shalt  }
0x5b: {  	_ =	shalt  }
0x5c: {  	_ =	shalt  }
0x5d: {  	_ =	shalt  }
0x5e: {  	_ =	shalt  }
0x5f: {  	_ =	shalt  }
0x60: {  	_ =	shalt  }
0x61: {  	_ =	shalt  }
0x62: {  	_ =	shalt  }
0x63: {  	_ =	shalt  }
0x64: {  	_ =	shalt  }
0x65: {  	_ =	shalt  }
0x66: {  	_ =	shalt  }
0x67: {  	_ =	shalt  }
0x68: {  	_ =	shalt  }
0x69: {  	_ =	shalt  }
0x6a: {  	_ =	shalt  }
0x6b: {  	_ =	shalt  }
0x6c: {  	_ =	shalt  }
0x6d: {  	_ =	shalt  }
0x6e: {  	_ =	shalt  }
0x6f: {  	_ =	shalt  }
0x70: {  	_ =	shalt  }
0x71: {  	_ =	shalt  }
0x72: {  	_ =	shalt  }
0x73: {  	_ =	shalt  }
0x74: {  	_ =	shalt  }
0x75: {  	_ =	shalt  }
0x76: {  	_ =	shalt  }
0x77: {  	_ =	shalt  }
0x78: {  	_ =	shalt  }
0x79: {  	_ =	shalt  }
0x7a: {  	_ =	shalt  }
0x7b: {  	_ =	shalt  }
0x7c: {  	_ =	shalt  }
0x7d: {  	_ =	shalt  }
0x7e: {  	_ =	shalt  }
0x7f: {  	_ =	shalt  }
0x80: {  	_ =	shalt  }
0x81: {  	_ =	shalt  }
0x82: {  	_ =	shalt  }
0x83: {  	_ =	shalt  }
0x84: {  	_ =	shalt  }
0x85: {  	_ =	shalt  }
0x86: {  	_ =	shalt  }
0x87: {  	_ =	shalt  }
.Lfunc_end0:
.L_simem_size_0:
called_computation_lowered:
.L_overlay_start_0:
0x88: {  	s2 =	sld [smem:$0x3FD9]  }
0x89: {  	s3 =	sld [smem:$0x3FFE];
	_ =	sdelay $0x1  }
0x8a: {  	s1 =	srdreg.scid  }
0x8b: {  	s0 =	sand.u32 $0x1, s1  }
0x8c: {  	s18 =	sshll.u32 s0, $0xA;
	s2 =	sadd.s32 s3, s2  }
0x8d: {  	s2 =	sadd.s32 s2, s18  }
0x8e: {  	[smem:$0x3FC5] =	sst s2  }
0x8f: {  	_ = 	snop  }
0x90: {  	s2 =	sld [smem:$0x3FC9]  }
0x91: {  	s19 =	sld [smem:$0x3FC8]  }
0x92: {  	s4 =	sld [smem:$0x3FC7]  }
0x93: {  	s5 =	sld [smem:$0x3FD0];
	(tm) =	ssettm $0x1  }
0x94: {  	s6 =	sld [smem:$0x3FFB];
	_ =	sdelay $0x3  }
0x95: {  	_ =	strace s6  }
0x96: {  	s6 =	sld [smem:$0x3FFC];
	_ =	sdelay $0x3  }
0x97: {  	_ =	strace s6  }
0x98: {  	s6 =	sld [smem:$0x3FFD];
	_ =	sdelay $0x3  }
0x99: {  	_ =	strace s6  }
0x9a: {  	_ =	strace $0x8FFFFFFF  }
0x9b: {  	s20 =	sld [smem:$0x3FDB];
	_ =	sdelay $0x1  }
0x9c: {  	s7 =	simm.s32 $_scs_section_size  }
0x9d: {  	s8 =	simm.s32 $_size__tile_overlayer_lowered;
	s9 =	simm.s32 $_tile_overlayer_lowered  }
0x9e: {  	s23 =	simm.s32 $0x1BFF;
	s22 =	sshll.u32 s9, $0x1;
	s6 =	sadd.s32 s7, s20  }
0x9f: {  	s10 =	simm.s32 $0x0;
	s21 =	sshll.u32 s8, $0x1;
	s8 =	sadd.s32 s22, s6  }
0xa0: {  	[timem:s10], [sflag:s23] =	dma.local [hbm:s8], s21  }
0xa1: {  	_ =	swait.ge [sflag:s23], s21  }
0xa2: {  	s7 =	ssub.s32 $0x0, s21;
	[sflag:s23] =	ssyncset.done $0x0  }
0xa3: {  	[sflag:s23] =	ssyncadd.s32 s7;
	_ =	sdelay $0x1  }
0xa4: {  	s24 =	simm.s32 $0x1B8B  }
0xa5: {  	_ =	swait.ge [sflag:s24], $0x1  }
0xa6: {  	[sflag:s24] =	ssyncset.done $0x0  }
0xa7: {  	s25 =	simm.s32 $0x1B8E;
	[sflag:s24] =	ssyncadd.s32 $0xFFFFFFFF  }
0xa8: {  	s26 =	simm.s32 $execute0_lowered;
	[smem:$0x3FD2] =	sst s25  }
0xa9: {  	s7 =	sshll.u32 s26, $0x1;
	_ =	strace $0x80000046;
	[dreg:$0x1] =	wrdreg $0xFFFFFFFF  }
0xaa: {  	s28 =	simm.s32 $_size_execute0_lowered;
	s6 =	sadd.s32 s6, s7;
	[dreg:$0x0] =	wrdreg $0x0  }
0xab: {  	s7 =	sshll.u32 s28, $0x1;
	[dreg:$0x2] =	wrdreg s6  }
0xac: {  	[dreg:$0x3] =	wrdreg s7  }
0xad: {  	[dreg:$0x4] =	wrdreg $0xC0  }
0xae: {  	_ =	task [dreg:s10], $0x5FFFF  }
0xaf: {  	[dreg:$0x1] =	wrdreg $0xFFFFFFFF  }
0xb0: {  	[dreg:$0x0] =	wrdreg $0x60  }
0xb1: {  	[dreg:$0x2] =	wrdreg s2  }
0xb2: {  	[dreg:$0x3] =	wrdreg s19  }
0xb3: {  	[dreg:$0x4] =	wrdreg s4  }
0xb4: {  	[dreg:$0x5] =	wrdreg s5  }
0xb5: {  	[dreg:$0x6] =	wrdreg $0x41000  }
0xb6: {  	[dreg:$0x7] =	wrdreg $0x9  }
0xb7: {  	_ =	task.clear_ibuf [dreg:s10], $0x8FFFF;
	_ =	strace $0x90000046  }
0xb8: {  	s29 =	simm.s32 $0x9;
	_ =	strace $0x80000048  }
0xb9: {  	_ =	swait.ge [sflag:s29], $0x1  }
0xba: {  	[sflag:s29] =	ssyncadd.s32 $0xFFFFFFFF  }
0xbb: {  	_ =	strace $0x90000048  }
0xbc: {  	_ =	sfence  }
0xbd: {  	s30 =	sld [smem:$0x0];
	_ =	sdelay $0x2  }
0xbe: {  	s31 =	sshll.u32 s1, $0xD;
	s1 =	sshrl.u32 s1, $0x2  }
0xbf: {  	s3 =	sand.u32 $0x4000, s31;
	s1 =	sadd.s32 s1, s30  }
0xc0: {  	s0 =	sor.u32 s3, s0;
	s1 =	sshll.u32 s1, $0x11  }
0xc1: {  	s0 =	sor.u32 s1, s0  }
0xc2: {  	s0 =	sadd.s32 $0x8F2B, s0  }
0xc3: {  	[sflag:s0] =	ssyncadd.remote.s32 $0x1  }
0xc4: {  	_ =	sfence.sel $0xFFFF  }
0xc5: {  	[dreg:$0x0] =	wrdreg $0xFFFFFFFF;
	(pc) =	sbr.abs _section_cstart, $3  }
0xc6: {  	[dreg:$0x1] =	wrdreg $0xFFFFFFFF  }
0xc7: {  	_ =	task.clear_ibuf [dreg:s10], $0x2FFFF;
	_ =	strace $0x9FFFFFFF  }
0xc8: {  	(tm) =	ssettm $0x7FFFFFFF  }
0xc9: {  	_ =	shalt  }
tec
execute0_lowered:
.L_overlay_start_1:
0x0: {  	(tag) =	ssettag $0x1  }
0x1: {  	s1 =	rddreg [dreg:$0x0]  }
0x2: {  	s19 =	rddreg [dreg:$0x1]  }
0x3: {  	s21 =	rddreg [dreg:$0x2];
	s2 =	stileid.u32  }
0x4: {  	s20 =	rddreg [dreg:$0x3];
	s6 =	smul.u32 $0x50000, s2  }
0x5: {  	s4 =	srdreg.scid;
	s22 =	smul.u32 $0x280, s2  }
0x6: {  	s3 =	rddreg [dreg:$0x4];
	s18 =	sand.u32 $0x1, s4;
	s29 =	smul.u32 $0xA00, s2  }
0x7: {  	s4 =	simm.s32 $0x0;
	s5 =	ssub.s32 $0x2, s18;
	s23 =	smul.u32 $0x2800, s18  }
0x8: {  	[smem:$0x7FF] =	sst s4;
	s30 =	smul.u32 $0x500, s18;
	s7 =	sshrl.u32 s5, $0x1  }
0x9: {  	s26 =	sshrl.u32 s6, $0x2;
	_ =	strace $0x80000047;
	s12 =	sadd.s32 $0x80, s22  }
0xa: {  	s15 =	sadd.s32 $0x100, s22;
	s16 =	sadd.s32 $0x180, s22;
	s31 =	sadd.s32 s29, s19  }
0xb: {  	s21 =	sadd.s32 s29, s21;
	s7 =	ssub.s32 s5, s7;
	s5 =	sadd.s32 s26, s3  }
0xc: {  	s10 =	sadd.s32 s23, s22;
	s13 =	sadd.s32 s23, s12;
	s12 =	sshll.u32 s12, $0x7  }
0xd: {  	s14 =	sshll.u32 s15, $0x7;
	s15 =	sadd.s32 s23, s15;
	s17 =	sshll.u32 s16, $0x7  }
0xe: {  	s24 =	sadd.s32 s23, s16;
	s22 =	sadd.s32 $0x200, s22;
	s21 =	sadd.s32 s30, s21  }
0xf: {  	s26 =	simm.s32 $0x0;
	s6 =	smax.u32 s7, $0x1;
	s7 =	sadd.s32 $0x4000, s5  }
0x10: {  	s8 =	sadd.s32 $0x8000, s5;
	s9 =	sadd.s32 $0xC000, s5;
	s11 =	sshll.u32 s10, $0x4  }
0x11: {  	s10 =	sadd.s32 $0x10000, s5;
	s13 =	sshll.u32 s13, $0x4;
	s12 =	sadd.s32 s12, s3  }
0x12: {  	s14 =	sadd.s32 s14, s3;
	s15 =	sshll.u32 s15, $0x4;
	s16 =	sadd.s32 s17, s3  }
0x13: {  	s28 =	sshll.u32 s24, $0x4;
	s25 =	sshll.u32 s22, $0x7;
	s22 =	sadd.s32 s23, s22  }
0x14: {  	s23 =	simm.s32 $0x2;
	s24 =	simm.s32 $0x80;
	s11 =	sadd.s32 s20, s11  }
0x15: {  	s13 =	sadd.s32 s20, s13;
	s15 =	sadd.s32 s20, s15;
	s17 =	sadd.s32 s20, s28  }
0x16: {  	s18 =	sadd.s32 s25, s3;
	s22 =	sshll.u32 s22, $0x4;
	s25 =	simm.s32 $0x1  }
0x17: {  	v0 =	vimm.f32 $0.0e+00;
	s19 =	sadd.s32 s20, s22;
	s20 =	sadd.s32 s30, s31;
	s22 =	simm.s32 $0x100  }
.LBB2_1:
0x18: {  	s28 =	simm.s32 $0x0;
	s29 =	simm.s32 $0x200  }
.LBB2_2:
0x19: {  	p0 =	sne.s32 s29, $0xFE00;
	[tilespmem:s28+$0x170] =	vst v0  }
0x1a: {  	[tilespmem:s28+$0x100] =	vst v0  }
0x1b: {  	[tilespmem:s28+$0x110] =	vst v0  }
.Ltmp0:
0x1c: {  	[tilespmem:s28+$0x120] =	vst v0;
	(pc) =	sbr.rel @p0 .LBB2_2-.Ltmp0, $4  }
0x1d: {  	[tilespmem:s28+$0x130] =	vst v0  }
0x1e: {  	[tilespmem:s28+$0x140] =	vst v0  }
0x1f: {  	[tilespmem:s28+$0x150] =	vst v0  }
0x20: {  	[tilespmem:s28+$0x160] =	vst v0;
	s28 =	sshra.s32 s29, $0x2;
	s29 =	sadd.s32 $0x200, s29  }
0x21: {  	[tilespmem:s28+$0x170] =	vst v0  }
0x22: {  	[tilespmem:s28+$0x100] =	vst v0  }
0x23: {  	[tilespmem:s28+$0x110] =	vst v0  }
0x24: {  	[tilespmem:s28+$0x120] =	vst v0  }
0x25: {  	[tilespmem:s28+$0x130] =	vst v0  }
0x26: {  	[tilespmem:s28+$0x140] =	vst v0  }
0x27: {  	[tilespmem:s28+$0x150] =	vst v0  }
0x28: {  	[tilespmem:s28+$0x160] =	vst v0  }
0x29: {  	[spmem:s5] =	stream.linear.scatter [tilespmem:s22], [sflag:$0x2], $0x4000, $0x38;
	[tilespmem:$0x18100] =	vst v63  }
0x2a: {  	_ =	swait.ge [sflag:s23], $0x4000  }
0x2b: {  	[sflag:s23] =	ssyncset.done $0x0  }
0x2c: {  	[sflag:s23] =	ssyncadd.s32 $0xFFFFC000  }
0x2d: {  	[spmem:s7] =	stream.linear.scatter [tilespmem:s22], [sflag:$0x2], $0x4000, $0x38;
	[tilespmem:$0x18100] =	vst v63  }
0x2e: {  	_ =	swait.ge [sflag:s23], $0x4000  }
0x2f: {  	[sflag:s23] =	ssyncset.done $0x0  }
0x30: {  	[sflag:s23] =	ssyncadd.s32 $0xFFFFC000  }
0x31: {  	[spmem:s8] =	stream.linear.scatter [tilespmem:s22], [sflag:$0x2], $0x4000, $0x38;
	[tilespmem:$0x18100] =	vst v63  }
0x32: {  	_ =	swait.ge [sflag:s23], $0x4000  }
0x33: {  	[sflag:s23] =	ssyncset.done $0x0  }
0x34: {  	[sflag:s23] =	ssyncadd.s32 $0xFFFFC000  }
0x35: {  	[spmem:s9] =	stream.linear.scatter [tilespmem:s22], [sflag:$0x2], $0x4000, $0x38;
	[tilespmem:$0x18100] =	vst v63  }
0x36: {  	_ =	swait.ge [sflag:s23], $0x4000  }
0x37: {  	[sflag:s23] =	ssyncset.done $0x0  }
0x38: {  	[sflag:s23] =	ssyncadd.s32 $0xFFFFC000  }
0x39: {  	[spmem:s10] =	stream.linear.scatter [tilespmem:s22], [sflag:$0x2], $0x4000, $0x38;
	[tilespmem:$0x18100] =	vst v63  }
0x3a: {  	_ =	swait.ge [sflag:s23], $0x4000  }
0x3b: {  	[sflag:s23] =	ssyncset.done $0x0  }
0x3c: {  	[sflag:s23] =	ssyncadd.s32 $0xFFFFC000  }
0x3d: {  	s28 =	sadd.s32 $0x0, s21;
	[bflag:$0x0] =	sbarrier.arrive $0xFFFF  }
0x3e: {  	[tilespmem:s24], [sflag:$0x2] =	stream.linear.gather [hbm4b:s28+s4], $0x80, $0x38;
	[tilespmem:$0x18100] =	vst v63  }
0x3f: {  	_ =	swait.ge [sflag:s23], $0x80  }
0x40: {  	[sflag:s23] =	ssyncset.done $0x0  }
0x41: {  	s28 =	sadd.s32 $0x0, s20;
	[sflag:s23] =	ssyncadd.s32 $0xFFFFFF80  }
0x42: {  	[tilespmem:s4], [sflag:$0x2] =	stream.linear.gather [hbm4b:s28+s4], $0x80, $0x38;
	[tilespmem:$0x18100] =	vst v63  }
0x43: {  	_ =	swait.ge [sflag:s23], $0x80  }
0x44: {  	[sflag:s23] =	ssyncset.done $0x0  }
0x45: {  	[sflag:s23] =	ssyncadd.s32 $0xFFFFFF80  }
0x46: {  	[tilespmem:s22], [sflag:$0x1] =	stream.indirect.gather [hbm4b:s1+s24], $0x80, s4, s24, $0xb8;
	[tilespmem:$0x18100] =	vst v63  }
0x47: {  	_ =	swait.ge [sflag:s25], $0x4000  }
0x48: {  	[sflag:s25] =	ssyncset.done $0x0  }
0x49: {  	[sflag:s25] =	ssyncadd.s32 $0xFFFFC000  }
0x4a: {  	[spmem:s3] =	stream.indirect.scatter.add.f32 [tilespmem:s22], [sflag:$0x2], $0x80, s24, s24, $0xb8;
	[tilespmem:$0x18100] =	vst v63  }
0x4b: {  	_ =	swait.ge [sflag:s23], $0x4000  }
0x4c: {  	s29 =	simm.s32 $0x20;
	s28 =	simm.s32 $0x10;
	[sflag:s23] =	ssyncset.done $0x0  }
.LBB2_4:
0x4d: {  	s30 =	sadd.s32 s28, s21  }
0x4e: {  	[sflag:s23] =	ssyncadd.s32 $0xFFFFC000;
	s31 =	smov.u32 s29;
	s0 =	sadd.s32 $0x10, s29  }
0x4f: {  	[tilespmem:s24], [sflag:$0x2] =	stream.linear.gather [hbm4b:s30+s4], $0x80, $0x38;
	[tilespmem:$0x18100] =	vst v63  }
0x50: {  	p0 =	sne.s32 s29, $0x4F0;
	_ =	swait.ge [sflag:s23], $0x80  }
0x51: {  	[sflag:s23] =	ssyncset.done $0x0  }
0x52: {  	s29 =	sadd.s32 s28, s20;
	s28 =	smov.u32 s31;
	[sflag:s23] =	ssyncadd.s32 $0xFFFFFF80  }
0x53: {  	[tilespmem:s4], [sflag:$0x2] =	stream.linear.gather [hbm4b:s29+s4], $0x80, $0x38;
	[tilespmem:$0x18100] =	vst v63  }
0x54: {  	_ =	swait.ge [sflag:s23], $0x80  }
0x55: {  	[sflag:s23] =	ssyncset.done $0x0  }
0x56: {  	[sflag:s23] =	ssyncadd.s32 $0xFFFFFF80  }
0x57: {  	[tilespmem:s22], [sflag:$0x1] =	stream.indirect.gather [hbm4b:s1+s24], $0x80, s4, s24, $0xb8;
	[tilespmem:$0x18100] =	vst v63  }
0x58: {  	_ =	swait.ge [sflag:s25], $0x4000  }
.Ltmp1:
0x59: {  	[sflag:s25] =	ssyncset.done $0x0;
	(pc) =	sbr.rel @p0 .LBB2_4-.Ltmp1, $4  }
0x5a: {  	[sflag:s25] =	ssyncadd.s32 $0xFFFFC000  }
0x5b: {  	[spmem:s3] =	stream.indirect.scatter.add.f32 [tilespmem:s22], [sflag:$0x2], $0x80, s24, s24, $0xb8;
	[tilespmem:$0x18100] =	vst v63  }
0x5c: {  	_ =	swait.ge [sflag:s23], $0x4000  }
0x5d: {  	s29 =	smov.u32 s0;
	[sflag:s23] =	ssyncset.done $0x0  }
0x5e: {  	s0 =	sadd.s32 s28, s21;
	[sflag:s23] =	ssyncadd.s32 $0xFFFFC000  }
0x5f: {  	[tilespmem:s24], [sflag:$0x2] =	stream.linear.gather [hbm4b:s0+s4], $0x80, $0x38;
	[tilespmem:$0x18100] =	vst v63  }
0x60: {  	_ =	swait.ge [sflag:s23], $0x80  }
0x61: {  	[sflag:s23] =	ssyncset.done $0x0  }
0x62: {  	s31 =	sadd.s32 s28, s20;
	[sflag:s23] =	ssyncadd.s32 $0xFFFFFF80  }
0x63: {  	[tilespmem:s4], [sflag:$0x2] =	stream.linear.gather [hbm4b:s31+s4], $0x80, $0x38;
	[tilespmem:$0x18100] =	vst v63  }
0x64: {  	_ =	swait.ge [sflag:s23], $0x80  }
0x65: {  	[sflag:s23] =	ssyncset.done $0x0  }
0x66: {  	[sflag:s23] =	ssyncadd.s32 $0xFFFFFF80  }
0x67: {  	[tilespmem:s22], [sflag:$0x1] =	stream.indirect.gather [hbm4b:s1+s24], $0x80, s4, s24, $0xb8;
	[tilespmem:$0x18100] =	vst v63  }
0x68: {  	_ =	swait.ge [sflag:s25], $0x4000  }
0x69: {  	[sflag:s25] =	ssyncset.done $0x0  }
0x6a: {  	[sflag:s25] =	ssyncadd.s32 $0xFFFFC000  }
0x6b: {  	[spmem:s3] =	stream.indirect.scatter.add.f32 [tilespmem:s22], [sflag:$0x2], $0x80, s24, s24, $0xb8;
	[tilespmem:$0x18100] =	vst v63  }
0x6c: {  	_ =	swait.ge [sflag:s23], $0x4000  }
0x6d: {  	[sflag:s23] =	ssyncset.done $0x0  }
0x6e: {  	[sflag:s23] =	ssyncadd.s32 $0xFFFFC000  }
0x6f: {  	[bflag:$0x0] =	sbarrier.arrive $0xFFFF  }
0x70: {  	[tilespmem:s22], [sflag:$0x2] =	stream.linear.gather [spmem:s5], $0x4000, $0x38;
	[tilespmem:$0x18100] =	vst v63  }
0x71: {  	_ =	swait.ge [sflag:s23], $0x4000  }
0x72: {  	[sflag:s23] =	ssyncset.done $0x0  }
0x73: {  	[sflag:s23] =	ssyncadd.s32 $0xFFFFC000  }
0x74: {  	[hbm4b:s11+s4] =	stream.linear.scatter [tilespmem:s22], [sflag:$0x2], $0x4000, $0x38;
	[tilespmem:$0x18100] =	vst v63  }
0x75: {  	_ =	swait.ge [sflag:s23], $0x4000  }
0x76: {  	[sflag:s23] =	ssyncset.done $0x0  }
0x77: {  	[sflag:s23] =	ssyncadd.s32 $0xFFFFC000  }
0x78: {  	[tilespmem:s22], [sflag:$0x2] =	stream.linear.gather [spmem:s12], $0x4000, $0x38;
	[tilespmem:$0x18100] =	vst v63  }
0x79: {  	_ =	swait.ge [sflag:s23], $0x4000  }
0x7a: {  	[sflag:s23] =	ssyncset.done $0x0  }
0x7b: {  	[sflag:s23] =	ssyncadd.s32 $0xFFFFC000  }
0x7c: {  	[hbm4b:s13+s4] =	stream.linear.scatter [tilespmem:s22], [sflag:$0x2], $0x4000, $0x38;
	[tilespmem:$0x18100] =	vst v63  }
0x7d: {  	_ =	swait.ge [sflag:s23], $0x4000  }
0x7e: {  	[sflag:s23] =	ssyncset.done $0x0  }
0x7f: {  	[sflag:s23] =	ssyncadd.s32 $0xFFFFC000  }
0x80: {  	[tilespmem:s22], [sflag:$0x2] =	stream.linear.gather [spmem:s14], $0x4000, $0x38;
	[tilespmem:$0x18100] =	vst v63  }
0x81: {  	_ =	swait.ge [sflag:s23], $0x4000  }
0x82: {  	[sflag:s23] =	ssyncset.done $0x0  }
0x83: {  	[sflag:s23] =	ssyncadd.s32 $0xFFFFC000  }
0x84: {  	[hbm4b:s15+s4] =	stream.linear.scatter [tilespmem:s22], [sflag:$0x2], $0x4000, $0x38;
	[tilespmem:$0x18100] =	vst v63  }
0x85: {  	_ =	swait.ge [sflag:s23], $0x4000  }
0x86: {  	[sflag:s23] =	ssyncset.done $0x0  }
0x87: {  	[sflag:s23] =	ssyncadd.s32 $0xFFFFC000  }
0x88: {  	[tilespmem:s22], [sflag:$0x2] =	stream.linear.gather [spmem:s16], $0x4000, $0x38;
	[tilespmem:$0x18100] =	vst v63  }
0x89: {  	_ =	swait.ge [sflag:s23], $0x4000  }
0x8a: {  	[sflag:s23] =	ssyncset.done $0x0  }
0x8b: {  	[sflag:s23] =	ssyncadd.s32 $0xFFFFC000  }
0x8c: {  	[hbm4b:s17+s4] =	stream.linear.scatter [tilespmem:s22], [sflag:$0x2], $0x4000, $0x38;
	[tilespmem:$0x18100] =	vst v63  }
0x8d: {  	_ =	swait.ge [sflag:s23], $0x4000  }
0x8e: {  	[sflag:s23] =	ssyncset.done $0x0  }
0x8f: {  	[sflag:s23] =	ssyncadd.s32 $0xFFFFC000  }
0x90: {  	[tilespmem:s22], [sflag:$0x2] =	stream.linear.gather [spmem:s18], $0x4000, $0x38;
	[tilespmem:$0x18100] =	vst v63  }
0x91: {  	s26 =	sadd.s32 $0x1, s26;
	_ =	swait.ge [sflag:s23], $0x4000  }
0x92: {  	p0 =	sne.s32 s26, s6;
	[sflag:s23] =	ssyncset.done $0x0  }
.Ltmp2:
0x93: {  	[sflag:s23] =	ssyncadd.s32 $0xFFFFC000;
	(pc) =	sbr.rel @p0 .LBB2_1-.Ltmp2, $4  }
0x94: {  	[hbm4b:s19+s4] =	stream.linear.scatter [tilespmem:s22], [sflag:$0x2], $0x4000, $0x38;
	[tilespmem:$0x18100] =	vst v63  }
0x95: {  	_ =	swait.ge [sflag:s23], $0x4000  }
0x96: {  	[sflag:s23] =	ssyncset.done $0x0  }
0x97: {  	[sflag:s23] =	ssyncadd.s32 $0xFFFFC000  }
0x98: {  	_ =	sfence.sel $0x180000  }
0x99: {  	[bflag:$0x0] =	sbarrier.arrive $0xFFFF  }
0x9a: {  	_ =	strace $0x90000047  }
0x9b: {  	[bflag:$0x2] =	sbarrier.arrive $0xFFFF  }
0x9c: {  	p0 =	sne.s32 s2, $0x0;
	s0 =	rddreg [dreg:$0x5]  }
0x9d: {  	s0 =	sadd.s32 @!p0 $0x100000, s0  }
0x9e: {  	[sflag:s0] =	ssyncadd.tile.s32 @!p0 $0x1;
	_ =	shalt  }
.Lfunc_end2:
_tile_overlayer_lowered:
.L_overlay_start_2:
0x9f: {  	(tag) =	ssettag $0x2  }
0xa0: {  	s0 =	rddreg [dreg:$0x0];
	s2 =	stileid.u32  }
0xa1: {  	s1 =	rddreg [dreg:$0x1];
	p0 =	sne.s32 s2, $0x0  }
0xa2: {  	s3 =	rddreg [dreg:$0x2];
	[bflag:$0x3] =	sbarrier.arrive $0xFFFF;
	s2 =	simm.s32 @!p0 $0x1C02  }
0xa3: {  	[timem:s3], [sflag:s2] =	dma.local @!p0 [hbm:s0], s1  }
0xa4: {  	s0 =	simm.s32 @!p0 $0x2  }
0xa5: {  	_ =	swait.ge @!p0 [sflag:s0], s1  }
0xa6: {  	s1 =	ssub.s32 @!p0 $0x0, s1;
	[sflag:s0] =	ssyncset.done @!p0 $0x0  }
0xa7: {  	[sflag:s0] =	ssyncadd.s32 @!p0 s1  }
0xa8: {  	[bflag:$0x3] =	sbarrier.arrive $0xFFFF  }
0xa9: {  	_ =	shalt  }

</sc_bundles>
